<compile_context>
chip_gen: v7x
topology: tpu7x:2x2x1
jax: 0.10.2.dev20260603
libtpu: 0.0.44.dev20260713+nightly
codegen_flags: <defaults>
</compile_context>

<pallas_src>
import functools

import jax
import jax.numpy as jnp
from jax import lax
from jax.experimental import pallas as pl
from jax.experimental.pallas import tpu as pltpu
from jax.experimental.pallas import tpu_sc as plsc


@functools.cache
def _make_sc_gather(BS, V, D, NC, NS):
    NW = NC * NS
    RPW = BS // NW
    K = 32
    NCH = RPW // K
    mesh = plsc.VectorSubcoreMesh(core_axis_name="c", subcore_axis_name="s")

    @functools.partial(
        pl.kernel,
        mesh=mesh,
        out_type=jax.ShapeDtypeStruct((BS, D), jnp.float32),
        scratch_types=[
            pltpu.VMEM((NCH, K), jnp.int32),
            pltpu.VMEM((K, D), jnp.float32),
            pltpu.VMEM((K, D), jnp.float32),
            pltpu.SemaphoreType.DMA,
            pltpu.SemaphoreType.DMA,
            pltpu.SemaphoreType.DMA,
            pltpu.SemaphoreType.DMA,
        ],
    )
    def sc_gather(ids_hbm, table_hbm, out_hbm,
                  idx_v, tok0_v, tok1_v, gsem0, gsem1, osem0, osem1):
        tok = (tok0_v, tok1_v)
        gsem = (gsem0, gsem1)
        osem = (osem0, osem1)
        wid = lax.axis_index("s") * NC + lax.axis_index("c")
        base = wid * RPW

        pltpu.sync_copy(ids_hbm.at[wid], idx_v)

        def start_in(k, slot):
            pltpu.async_copy(table_hbm.at[idx_v.at[k]], tok[slot], gsem[slot])

        def wait_in(k, slot):
            pltpu.make_async_copy(
                table_hbm.at[idx_v.at[k]], tok[slot], gsem[slot]).wait()

        def start_out(k, slot):
            pltpu.async_copy(
                tok[slot], out_hbm.at[pl.ds(base + k * K, K)], osem[slot])

        def wait_out(k, slot):
            pltpu.make_async_copy(
                tok[slot], out_hbm.at[pl.ds(base + k * K, K)],
                osem[slot]).wait()

        def phase(k, cur, other):
            @pl.when(k >= 1)
            def _():
                wait_out(k - 1, other)

            @pl.when(k + 1 < NCH)
            def _():
                start_in(k + 1, other)

            wait_in(k, cur)
            start_out(k, cur)

        start_in(0, 0)

        def pair_body(c2, carry):
            phase(2 * c2, 0, 1)
            phase(2 * c2 + 1, 1, 0)
            return carry

        lax.fori_loop(0, NCH // 2, pair_body, 0)
        wait_out(NCH - 1, 1)

    return sc_gather


def _tc_ln_body(BLK, x_ref, pos_ref, g_ref, b_ref, o_ref):
    j = pl.program_id(0)
    x = x_ref[...] + pos_ref[pl.ds(j * BLK, BLK), :]
    mu = jnp.mean(x, axis=-1, keepdims=True)
    d = x - mu
    var = jnp.mean(d * d, axis=-1, keepdims=True)
    o_ref[...] = d * lax.rsqrt(var + 1e-5) * g_ref[...] + b_ref[...]


@functools.cache
def _make_tc_ln(BS, S, D):
    BLK = 1024
    B = BS // S
    nsb = S // BLK

    return pl.pallas_call(
        functools.partial(_tc_ln_body, BLK),
        grid=(nsb, B),
        in_specs=[
            pl.BlockSpec((BLK, D), lambda j, b: (b * nsb + j, 0)),
            pl.BlockSpec((S, D), lambda j, b: (0, 0)),
            pl.BlockSpec((1, D), lambda j, b: (0, 0)),
            pl.BlockSpec((1, D), lambda j, b: (0, 0)),
        ],
        out_specs=pl.BlockSpec((BLK, D), lambda j, b: (b * nsb + j, 0)),
        out_shape=jax.ShapeDtypeStruct((BS, D), jnp.float32),
    )


def kernel(input_ids, token_table, pos_table, ln_gamma, ln_beta):
    B, S = input_ids.shape
    V, D = token_table.shape
    info = plsc.get_sparse_core_info()
    NC, NS = info.num_cores, info.num_subcores
    NW = NC * NS
    BS = B * S
    K = 32
    ids3 = input_ids.astype(jnp.int32).reshape(NW, BS // NW // K, K)
    gathered = _make_sc_gather(BS, V, D, NC, NS)(ids3, token_table)
    out = _make_tc_ln(BS, S, D)(
        gathered, pos_table, ln_gamma.reshape(1, D), ln_beta.reshape(1, D))
    return out.reshape(B, S, D)

# --- scband reference (transcript-rebuilt; emitter-appended) ---
"""Pipeline reference for scband-gptembedding-7335804142063 (READ-ONLY COPY).

The authoritative reference and input builder live on the scoring server;
editing this copy changes nothing except your own understanding.
"""

import jax, jax.numpy as jnp
import numpy as np

VOCAB = 100000
EMBED = 1024
MAX_SEQ = 2048
BATCH = 4
SEQ = 2048


def setup_inputs(seed: int = 0) -> dict:
    key = jax.random.key(seed)
    k1, k2, k3 = jax.random.split(key, 3)
    input_ids = jax.random.randint(k1, (BATCH, SEQ), 0, VOCAB, dtype=jnp.int64 if jax.config.jax_enable_x64 else jnp.int32)
    token_table = jax.random.normal(k2, (VOCAB, EMBED), dtype=jnp.float32) * 0.02
    pos_table = jax.random.normal(k3, (MAX_SEQ, EMBED), dtype=jnp.float32) * 0.02
    ln_gamma = jnp.ones((EMBED,), dtype=jnp.float32)
    ln_beta = jnp.zeros((EMBED,), dtype=jnp.float32)
    return {"input_ids": input_ids, "token_table": token_table, "pos_table": pos_table, "ln_gamma": ln_gamma, "ln_beta": ln_beta}


def _layer_norm(x, gamma, beta, eps=1e-5):
    mu = jnp.mean(x, axis=-1, keepdims=True)
    var = jnp.mean((x - mu) ** 2, axis=-1, keepdims=True)
    return (x - mu) / jnp.sqrt(var + eps) * gamma + beta


def reference(input_ids, token_table, pos_table, ln_gamma, ln_beta):
    # TokenEmbedding: gather rows from the embedding table
    token_embedding = jnp.take(token_table, input_ids, axis=0)  # [B, S, D]
    # Learned PositionalEmbedding: one row per position, broadcast over batch
    seq_len = input_ids.shape[1]
    pos_embedding = pos_table[:seq_len][None, :, :]  # [1, S, D]
    embedding = token_embedding + pos_embedding
    # use_layer_norm=True path
    embedding = _layer_norm(embedding, ln_gamma, ln_beta)
    # Dropout is identity in eval / deterministic reference
    return embedding

if __name__ == "__main__":
    import jax
    _d = setup_inputs()
    print(jax.jit(kernel)(*tuple(_d.values())))

</pallas_src>

<mosaic_0001>
#map = affine_map<(d0, d1) -> (0, 0, 0)>
#map1 = affine_map<(d0, d1) -> (0, 0)>
module attributes {stable_mosaic.version = 14 : i64} {
  func.func @sc_gather(%arg0: i32, %arg1: i32, %arg2: memref<32x8x32xi32, #tpu.memory_space<hbm>>, %arg3: memref<100000x1024xf32, #tpu.memory_space<hbm>>, %arg4: memref<8192x1024xf32, #tpu.memory_space<hbm>>, %arg5: memref<8x32xi32, #tpu.memory_space<vmem>>, %arg6: memref<32x1024xf32, #tpu.memory_space<vmem>>, %arg7: memref<32x1024xf32, #tpu.memory_space<vmem>>, %arg8: memref<!tpu.dma_semaphore, #tpu.memory_space<semaphore_mem>>, %arg9: memref<!tpu.dma_semaphore, #tpu.memory_space<semaphore_mem>>, %arg10: memref<!tpu.dma_semaphore, #tpu.memory_space<semaphore_mem>>, %arg11: memref<!tpu.dma_semaphore, #tpu.memory_space<semaphore_mem>>) attributes {dimension_semantics = [#tpu.dimension_semantics<core_parallel>, #tpu.dimension_semantics<subcore_parallel>], iteration_bounds = array<i64: 2, 16>, scalar_prefetch = 0 : i64, scratch_operands = 7 : i64, tpu.core_type = #tpu.core_type<sc_vector_subcore>, window_params = [{transform_indices = #map}, {transform_indices = #map1}, {transform_indices = #map1}]} {
    %mul3A = arith.constant 2 : i32
    %mul3A_0 = arith.muli %arg1, %mul3A : i32
    %add3A = arith.addi %mul3A_0, %arg0 : i32
    %mul3A_1 = arith.constant 256 : i32
    %mul3A_2 = arith.muli %add3A, %mul3A_1 : i32
    "tpu.region"() ({
      %run_scoped3A = tpu.sem_alloc : memref<!tpu.dma_semaphore, #tpu.memory_space<semaphore_mem>>
      %dma_start3A_19 = arith.constant 0 : i32
      %dma_start3A_20 = arith.constant 0 : i32
      %dma_start3A_21 = tpu.memref_slice %arg2[%add3A, %dma_start3A_19, %dma_start3A_20] : memref<32x8x32xi32, #tpu.memory_space<hbm>> -> memref<1x8x32xi32, #tpu.memory_space<hbm>>
      %dma_start3A_22 = tpu.memref_squeeze %dma_start3A_21 : memref<1x8x32xi32, #tpu.memory_space<hbm>> -> memref<8x32xi32, #tpu.memory_space<hbm>>
      %dma_start3A_23 = arith.constant 0 : i32
      %dma_start3A_24 = arith.constant 0 : i32
      %dma_start3A_25 = tpu.memref_slice %arg2[%add3A, %dma_start3A_23, %dma_start3A_24] : memref<32x8x32xi32, #tpu.memory_space<hbm>> -> memref<1x8x32xi32, #tpu.memory_space<hbm>>
      %dma_start3A_26 = tpu.memref_squeeze %dma_start3A_25 : memref<1x8x32xi32, #tpu.memory_space<hbm>> -> memref<8x32xi32, #tpu.memory_space<hbm>>
      tpu.enqueue_dma source(%dma_start3A_26 : memref<8x32xi32, #tpu.memory_space<hbm>>) target(%arg5 : memref<8x32xi32, #tpu.memory_space<vmem>>) target_semaphore(%run_scoped3A : memref<!tpu.dma_semaphore, #tpu.memory_space<semaphore_mem>>)
      %dma_wait3A_27 = arith.constant 0 : i32
      %dma_wait3A_28 = arith.constant 0 : i32
      %dma_wait3A_29 = tpu.memref_slice %arg2[%add3A, %dma_wait3A_27, %dma_wait3A_28] : memref<32x8x32xi32, #tpu.memory_space<hbm>> -> memref<1x8x32xi32, #tpu.memory_space<hbm>>
      %dma_wait3A_30 = tpu.memref_squeeze %dma_wait3A_29 : memref<1x8x32xi32, #tpu.memory_space<hbm>> -> memref<8x32xi32, #tpu.memory_space<hbm>>
      %dma_wait3A_31 = arith.constant 0 : i32
      %dma_wait3A_32 = arith.constant 0 : i32
      %dma_wait3A_33 = tpu.memref_slice %arg2[%add3A, %dma_wait3A_31, %dma_wait3A_32] : memref<32x8x32xi32, #tpu.memory_space<hbm>> -> memref<1x8x32xi32, #tpu.memory_space<hbm>>
      %dma_wait3A_34 = tpu.memref_squeeze %dma_wait3A_33 : memref<1x8x32xi32, #tpu.memory_space<hbm>> -> memref<8x32xi32, #tpu.memory_space<hbm>>
      tpu.wait_dma2 semaphore(%run_scoped3A : memref<!tpu.dma_semaphore, #tpu.memory_space<semaphore_mem>>) src(%dma_wait3A_34 : memref<8x32xi32, #tpu.memory_space<hbm>>) dst(%arg5 : memref<8x32xi32, #tpu.memory_space<vmem>>)
      tpu.yield
    }) : () -> ()
    %dma_start3A = arith.constant 0 : i32
    %dma_start3A_3 = arith.constant 0 : i32
    %dma_start3A_4 = tpu.memref_slice %arg5[%dma_start3A, %dma_start3A_3] : memref<8x32xi32, #tpu.memory_space<vmem>> -> memref<1x32xi32, #tpu.memory_space<vmem>>
    %dma_start3A_5 = tpu.memref_squeeze %dma_start3A_4 : memref<1x32xi32, #tpu.memory_space<vmem>> -> memref<32xi32, #tpu.memory_space<vmem>>
    %dma_start3A_6 = arith.constant 0 : i32
    %dma_start3A_7 = arith.constant 0 : i32
    %dma_start3A_8 = tpu.memref_slice %arg3[%dma_start3A_6, %dma_start3A_7] : memref<100000x1024xf32, #tpu.memory_space<hbm>> -> memref<100000x1024xf32, #tpu.memory_space<hbm>>
    tpu.enqueue_indirect_dma source(%dma_start3A_8 : memref<100000x1024xf32, #tpu.memory_space<hbm>>) target(%arg6 : memref<32x1024xf32, #tpu.memory_space<vmem>>) offsets(%dma_start3A_5 : memref<32xi32, #tpu.memory_space<vmem>>) semaphore(%arg8 : memref<!tpu.dma_semaphore, #tpu.memory_space<semaphore_mem>>)
    %scan3A = arith.constant 0 : i32
    %scan3A_9 = arith.constant 0 : i32
    %scan3A_10 = arith.constant 4 : i32
    %scan3A_11 = arith.addi %scan3A_9, %scan3A_10 : i32
    %scan3A_12 = arith.constant 1 : i32
    scf.for %scan3A_19 = %scan3A_9 to %scan3A_11 step %scan3A_12  : i32 {
      %mul3A_20 = arith.constant 2 : i32
      %mul3A_21 = arith.muli %mul3A_20, %scan3A_19 : i32
      %ge3A = arith.constant 1 : i32
      %ge3A_22 = arith.cmpi sge, %mul3A_21, %ge3A : i32
      %convert_element_type3A = arith.extui %ge3A_22 : i1 to i32
      %cond3A = arith.constant 0 : i32
      %cond3A_23 = arith.cmpi ne, %convert_element_type3A, %cond3A : i32
      scf.if %cond3A_23 {
        %sub3A = arith.constant 1 : i32
        %sub3A_72 = arith.subi %mul3A_21, %sub3A : i32
        %mul3A_73 = arith.constant 32 : i32
        %mul3A_74 = arith.muli %sub3A_72, %mul3A_73 : i32
        %add3A_75 = arith.addi %mul3A_2, %mul3A_74 : i32
        %dma_wait3A_76 = arith.constant 0 : i32
        %dma_wait3A_77 = tpu.memref_slice %arg4[%add3A_75, %dma_wait3A_76] : memref<8192x1024xf32, #tpu.memory_space<hbm>> -> memref<32x1024xf32, #tpu.memory_space<hbm>>
        %dma_wait3A_78 = arith.constant 0 : i32
        %dma_wait3A_79 = tpu.memref_slice %arg4[%add3A_75, %dma_wait3A_78] : memref<8192x1024xf32, #tpu.memory_space<hbm>> -> memref<32x1024xf32, #tpu.memory_space<hbm>>
        tpu.wait_dma2 semaphore(%arg11 : memref<!tpu.dma_semaphore, #tpu.memory_space<semaphore_mem>>) src(%arg7 : memref<32x1024xf32, #tpu.memory_space<vmem>>) dst(%dma_wait3A_79 : memref<32x1024xf32, #tpu.memory_space<hbm>>)
      } else {
      }
      %add3A_24 = arith.constant 1 : i32
      %add3A_25 = arith.addi %mul3A_21, %add3A_24 : i32
      %lt3A = arith.constant 8 : i32
      %lt3A_26 = arith.cmpi slt, %add3A_25, %lt3A : i32
      %convert_element_type3A_27 = arith.extui %lt3A_26 : i1 to i32
      %cond3A_28 = arith.constant 0 : i32
      %cond3A_29 = arith.cmpi ne, %convert_element_type3A_27, %cond3A_28 : i32
      scf.if %cond3A_29 {
        %add3A_72 = arith.constant 1 : i32
        %add3A_73 = arith.addi %mul3A_21, %add3A_72 : i32
        %dma_start3A_74 = arith.constant 0 : i32
        %dma_start3A_75 = tpu.memref_slice %arg5[%add3A_73, %dma_start3A_74] : memref<8x32xi32, #tpu.memory_space<vmem>> -> memref<1x32xi32, #tpu.memory_space<vmem>>
        %dma_start3A_76 = tpu.memref_squeeze %dma_start3A_75 : memref<1x32xi32, #tpu.memory_space<vmem>> -> memref<32xi32, #tpu.memory_space<vmem>>
        %dma_start3A_77 = arith.constant 0 : i32
        %dma_start3A_78 = arith.constant 0 : i32
        %dma_start3A_79 = tpu.memref_slice %arg3[%dma_start3A_77, %dma_start3A_78] : memref<100000x1024xf32, #tpu.memory_space<hbm>> -> memref<100000x1024xf32, #tpu.memory_space<hbm>>
        tpu.enqueue_indirect_dma source(%dma_start3A_79 : memref<100000x1024xf32, #tpu.memory_space<hbm>>) target(%arg7 : memref<32x1024xf32, #tpu.memory_space<vmem>>) offsets(%dma_start3A_76 : memref<32xi32, #tpu.memory_space<vmem>>) semaphore(%arg9 : memref<!tpu.dma_semaphore, #tpu.memory_space<semaphore_mem>>)
      } else {
      }
      %dma_wait3A_30 = arith.constant 0 : i32
      %dma_wait3A_31 = tpu.memref_slice %arg5[%mul3A_21, %dma_wait3A_30] : memref<8x32xi32, #tpu.memory_space<vmem>> -> memref<1x32xi32, #tpu.memory_space<vmem>>
      %dma_wait3A_32 = tpu.memref_squeeze %dma_wait3A_31 : memref<1x32xi32, #tpu.memory_space<vmem>> -> memref<32xi32, #tpu.memory_space<vmem>>
      %dma_wait3A_33 = arith.constant 0 : i32
      %dma_wait3A_34 = arith.constant 0 : i32
      %dma_wait3A_35 = tpu.memref_slice %arg3[%dma_wait3A_33, %dma_wait3A_34] : memref<100000x1024xf32, #tpu.memory_space<hbm>> -> memref<100000x1024xf32, #tpu.memory_space<hbm>>
      tpu.wait_indirect_dma semaphore(%arg8 : memref<!tpu.dma_semaphore, #tpu.memory_space<semaphore_mem>>) src(%dma_wait3A_35 : memref<100000x1024xf32, #tpu.memory_space<hbm>>) dst(%arg6 : memref<32x1024xf32, #tpu.memory_space<vmem>>)
      %mul3A_36 = arith.constant 32 : i32
      %mul3A_37 = arith.muli %mul3A_21, %mul3A_36 : i32
      %add3A_38 = arith.addi %mul3A_2, %mul3A_37 : i32
      %dma_start3A_39 = arith.constant 0 : i32
      %dma_start3A_40 = tpu.memref_slice %arg4[%add3A_38, %dma_start3A_39] : memref<8192x1024xf32, #tpu.memory_space<hbm>> -> memref<32x1024xf32, #tpu.memory_space<hbm>>
      %dma_start3A_41 = arith.constant 0 : i32
      %dma_start3A_42 = tpu.memref_slice %arg4[%add3A_38, %dma_start3A_41] : memref<8192x1024xf32, #tpu.memory_space<hbm>> -> memref<32x1024xf32, #tpu.memory_space<hbm>>
      tpu.enqueue_dma source(%arg6 : memref<32x1024xf32, #tpu.memory_space<vmem>>) target(%dma_start3A_42 : memref<32x1024xf32, #tpu.memory_space<hbm>>) target_semaphore(%arg10 : memref<!tpu.dma_semaphore, #tpu.memory_space<semaphore_mem>>)
      %mul3A_43 = arith.constant 2 : i32
      %mul3A_44 = arith.muli %mul3A_43, %scan3A_19 : i32
      %add3A_45 = arith.constant 1 : i32
      %add3A_46 = arith.addi %mul3A_44, %add3A_45 : i32
      %ge3A_47 = arith.constant 1 : i32
      %ge3A_48 = arith.cmpi sge, %add3A_46, %ge3A_47 : i32
      %convert_element_type3A_49 = arith.extui %ge3A_48 : i1 to i32
      %cond3A_50 = arith.constant 0 : i32
      %cond3A_51 = arith.cmpi ne, %convert_element_type3A_49, %cond3A_50 : i32
      scf.if %cond3A_51 {
        %sub3A = arith.constant 1 : i32
        %sub3A_72 = arith.subi %add3A_46, %sub3A : i32
        %mul3A_73 = arith.constant 32 : i32
        %mul3A_74 = arith.muli %sub3A_72, %mul3A_73 : i32
        %add3A_75 = arith.addi %mul3A_2, %mul3A_74 : i32
        %dma_wait3A_76 = arith.constant 0 : i32
        %dma_wait3A_77 = tpu.memref_slice %arg4[%add3A_75, %dma_wait3A_76] : memref<8192x1024xf32, #tpu.memory_space<hbm>> -> memref<32x1024xf32, #tpu.memory_space<hbm>>
        %dma_wait3A_78 = arith.constant 0 : i32
        %dma_wait3A_79 = tpu.memref_slice %arg4[%add3A_75, %dma_wait3A_78] : memref<8192x1024xf32, #tpu.memory_space<hbm>> -> memref<32x1024xf32, #tpu.memory_space<hbm>>
        tpu.wait_dma2 semaphore(%arg10 : memref<!tpu.dma_semaphore, #tpu.memory_space<semaphore_mem>>) src(%arg6 : memref<32x1024xf32, #tpu.memory_space<vmem>>) dst(%dma_wait3A_79 : memref<32x1024xf32, #tpu.memory_space<hbm>>)
      } else {
      }
      %add3A_52 = arith.constant 1 : i32
      %add3A_53 = arith.addi %add3A_46, %add3A_52 : i32
      %lt3A_54 = arith.constant 8 : i32
      %lt3A_55 = arith.cmpi slt, %add3A_53, %lt3A_54 : i32
      %convert_element_type3A_56 = arith.extui %lt3A_55 : i1 to i32
      %cond3A_57 = arith.constant 0 : i32
      %cond3A_58 = arith.cmpi ne, %convert_element_type3A_56, %cond3A_57 : i32
      scf.if %cond3A_58 {
        %add3A_72 = arith.constant 1 : i32
        %add3A_73 = arith.addi %add3A_46, %add3A_72 : i32
        %dma_start3A_74 = arith.constant 0 : i32
        %dma_start3A_75 = tpu.memref_slice %arg5[%add3A_73, %dma_start3A_74] : memref<8x32xi32, #tpu.memory_space<vmem>> -> memref<1x32xi32, #tpu.memory_space<vmem>>
        %dma_start3A_76 = tpu.memref_squeeze %dma_start3A_75 : memref<1x32xi32, #tpu.memory_space<vmem>> -> memref<32xi32, #tpu.memory_space<vmem>>
        %dma_start3A_77 = arith.constant 0 : i32
        %dma_start3A_78 = arith.constant 0 : i32
        %dma_start3A_79 = tpu.memref_slice %arg3[%dma_start3A_77, %dma_start3A_78] : memref<100000x1024xf32, #tpu.memory_space<hbm>> -> memref<100000x1024xf32, #tpu.memory_space<hbm>>
        tpu.enqueue_indirect_dma source(%dma_start3A_79 : memref<100000x1024xf32, #tpu.memory_space<hbm>>) target(%arg6 : memref<32x1024xf32, #tpu.memory_space<vmem>>) offsets(%dma_start3A_76 : memref<32xi32, #tpu.memory_space<vmem>>) semaphore(%arg8 : memref<!tpu.dma_semaphore, #tpu.memory_space<semaphore_mem>>)
      } else {
      }
      %dma_wait3A_59 = arith.constant 0 : i32
      %dma_wait3A_60 = tpu.memref_slice %arg5[%add3A_46, %dma_wait3A_59] : memref<8x32xi32, #tpu.memory_space<vmem>> -> memref<1x32xi32, #tpu.memory_space<vmem>>
      %dma_wait3A_61 = tpu.memref_squeeze %dma_wait3A_60 : memref<1x32xi32, #tpu.memory_space<vmem>> -> memref<32xi32, #tpu.memory_space<vmem>>
      %dma_wait3A_62 = arith.constant 0 : i32
      %dma_wait3A_63 = arith.constant 0 : i32
      %dma_wait3A_64 = tpu.memref_slice %arg3[%dma_wait3A_62, %dma_wait3A_63] : memref<100000x1024xf32, #tpu.memory_space<hbm>> -> memref<100000x1024xf32, #tpu.memory_space<hbm>>
      tpu.wait_indirect_dma semaphore(%arg9 : memref<!tpu.dma_semaphore, #tpu.memory_space<semaphore_mem>>) src(%dma_wait3A_64 : memref<100000x1024xf32, #tpu.memory_space<hbm>>) dst(%arg7 : memref<32x1024xf32, #tpu.memory_space<vmem>>)
      %mul3A_65 = arith.constant 32 : i32
      %mul3A_66 = arith.muli %add3A_46, %mul3A_65 : i32
      %add3A_67 = arith.addi %mul3A_2, %mul3A_66 : i32
      %dma_start3A_68 = arith.constant 0 : i32
      %dma_start3A_69 = tpu.memref_slice %arg4[%add3A_67, %dma_start3A_68] : memref<8192x1024xf32, #tpu.memory_space<hbm>> -> memref<32x1024xf32, #tpu.memory_space<hbm>>
      %dma_start3A_70 = arith.constant 0 : i32
      %dma_start3A_71 = tpu.memref_slice %arg4[%add3A_67, %dma_start3A_70] : memref<8192x1024xf32, #tpu.memory_space<hbm>> -> memref<32x1024xf32, #tpu.memory_space<hbm>>
      tpu.enqueue_dma source(%arg7 : memref<32x1024xf32, #tpu.memory_space<vmem>>) target(%dma_start3A_71 : memref<32x1024xf32, #tpu.memory_space<hbm>>) target_semaphore(%arg11 : memref<!tpu.dma_semaphore, #tpu.memory_space<semaphore_mem>>)
    }
    %scan3A_13 = arith.constant 4 : i32
    %add3A_14 = arith.constant 224 : i32
    %add3A_15 = arith.addi %mul3A_2, %add3A_14 : i32
    %dma_wait3A = arith.constant 0 : i32
    %dma_wait3A_16 = tpu.memref_slice %arg4[%add3A_15, %dma_wait3A] : memref<8192x1024xf32, #tpu.memory_space<hbm>> -> memref<32x1024xf32, #tpu.memory_space<hbm>>
    %dma_wait3A_17 = arith.constant 0 : i32
    %dma_wait3A_18 = tpu.memref_slice %arg4[%add3A_15, %dma_wait3A_17] : memref<8192x1024xf32, #tpu.memory_space<hbm>> -> memref<32x1024xf32, #tpu.memory_space<hbm>>
    tpu.wait_dma2 semaphore(%arg11 : memref<!tpu.dma_semaphore, #tpu.memory_space<semaphore_mem>>) src(%arg7 : memref<32x1024xf32, #tpu.memory_space<vmem>>) dst(%dma_wait3A_18 : memref<32x1024xf32, #tpu.memory_space<hbm>>)
    return
  }
}

module attributes {stable_mosaic.version = 14 : i64} {
  func.func @_tc_ln_body(%arg0: i32, %arg1: i32, %arg2: memref<1024x1024xf32, #tpu.memory_space<vmem>>, %arg3: memref<2048x1024xf32, #tpu.memory_space<vmem>>, %arg4: memref<1x1024xf32, #tpu.memory_space<vmem>>, %arg5: memref<1x1024xf32, #tpu.memory_space<vmem>>, %arg6: memref<1024x1024xf32, #tpu.memory_space<vmem>>) attributes {dimension_semantics = [#tpu.dimension_semantics<arbitrary>, #tpu.dimension_semantics<arbitrary>], iteration_bounds = array<i64: 2, 4>, scalar_prefetch = 0 : i64, scratch_operands = 0 : i64, tpu.core_type = #tpu.core_type<tc>, window_params = [{transform_indices = @transform_0, window_bounds = array<i64: 1024, 1024>}, {pipeline_mode = #tpu.pipeline_mode<synchronous>, transform_indices = @transform_1, window_bounds = array<i64: 2048, 1024>}, {pipeline_mode = #tpu.pipeline_mode<synchronous>, transform_indices = @transform_2, window_bounds = array<i64: 1, 1024>}, {pipeline_mode = #tpu.pipeline_mode<synchronous>, transform_indices = @transform_3, window_bounds = array<i64: 1, 1024>}, {transform_indices = @transform_4, window_bounds = array<i64: 1024, 1024>}]} {
    %get3A = arith.constant 0 : index
    %get3A_0 = arith.constant 0 : index
    %get3A_1 = vector.load %arg2[%get3A, %get3A_0] : memref<1024x1024xf32, #tpu.memory_space<vmem>>, vector<1024x1024xf32>
    %mul3A = arith.constant 1024 : i32
    %mul3A_2 = arith.muli %arg0, %mul3A : i32
    %get3A_3 = arith.index_cast %mul3A_2 : i32 to index
    %get3A_4 = arith.constant 0 : index
    %get3A_5 = vector.load %arg3[%get3A_3, %get3A_4] : memref<2048x1024xf32, #tpu.memory_space<vmem>>, vector<1024x1024xf32>
    %add3A = arith.addf %get3A_1, %get3A_5 : vector<1024x1024xf32>
    %reduce_sum3A = arith.constant dense<0.000000e+00> : vector<1024xf32>
    %reduce_sum3A_6 = vector.multi_reduction <add>, %add3A, %reduce_sum3A [1] : vector<1024x1024xf32> to vector<1024xf32>
    %broadcast_in_dim3A = vector.shape_cast %reduce_sum3A_6 : vector<1024xf32> to vector<1024x1xf32>
    %div3A = arith.constant 1.024000e+03 : f32
    %div3A_7 = vector.broadcast %div3A : f32 to vector<1024x1xf32>
    %div3A_8 = arith.divf %broadcast_in_dim3A, %div3A_7 : vector<1024x1xf32>
    %sub3A = vector.broadcast %div3A_8 : vector<1024x1xf32> to vector<1024x1024xf32>
    %sub3A_9 = arith.subf %add3A, %sub3A : vector<1024x1024xf32>
    %mul3A_10 = arith.mulf %sub3A_9, %sub3A_9 : vector<1024x1024xf32>
    %reduce_sum3A_11 = arith.constant dense<0.000000e+00> : vector<1024xf32>
    %reduce_sum3A_12 = vector.multi_reduction <add>, %mul3A_10, %reduce_sum3A_11 [1] : vector<1024x1024xf32> to vector<1024xf32>
    %broadcast_in_dim3A_13 = vector.shape_cast %reduce_sum3A_12 : vector<1024xf32> to vector<1024x1xf32>
    %div3A_14 = arith.constant 1.024000e+03 : f32
    %div3A_15 = vector.broadcast %div3A_14 : f32 to vector<1024x1xf32>
    %div3A_16 = arith.divf %broadcast_in_dim3A_13, %div3A_15 : vector<1024x1xf32>
    %add3A_17 = arith.constant 9.99999974E-6 : f32
    %add3A_18 = vector.broadcast %add3A_17 : f32 to vector<1024x1xf32>
    %add3A_19 = arith.addf %div3A_16, %add3A_18 : vector<1024x1xf32>
    %rsqrt3A = math.rsqrt %add3A_19 : vector<1024x1xf32>
    %mul3A_20 = vector.broadcast %rsqrt3A : vector<1024x1xf32> to vector<1024x1024xf32>
    %mul3A_21 = arith.mulf %sub3A_9, %mul3A_20 : vector<1024x1024xf32>
    %get3A_22 = arith.constant 0 : index
    %get3A_23 = arith.constant 0 : index
    %get3A_24 = vector.load %arg4[%get3A_22, %get3A_23] : memref<1x1024xf32, #tpu.memory_space<vmem>>, vector<1x1024xf32>
    %mul3A_25 = vector.broadcast %get3A_24 : vector<1x1024xf32> to vector<1024x1024xf32>
    %mul3A_26 = arith.mulf %mul3A_21, %mul3A_25 : vector<1024x1024xf32>
    %get3A_27 = arith.constant 0 : index
    %get3A_28 = arith.constant 0 : index
    %get3A_29 = vector.load %arg5[%get3A_27, %get3A_28] : memref<1x1024xf32, #tpu.memory_space<vmem>>, vector<1x1024xf32>
    %add3A_30 = vector.broadcast %get3A_29 : vector<1x1024xf32> to vector<1024x1024xf32>
    %add3A_31 = arith.addf %mul3A_26, %add3A_30 : vector<1024x1024xf32>
    %swap3A = arith.constant 0 : index
    %swap3A_32 = arith.constant 0 : index
    %swap3A_33 = vector.load %arg6[%swap3A, %swap3A_32] : memref<1024x1024xf32, #tpu.memory_space<vmem>>, vector<1024x1024xf32>
    tpu.vector_store %arg6[%swap3A, %swap3A_32], %add3A_31 {strides = array<i32>} : memref<1024x1024xf32, #tpu.memory_space<vmem>>, vector<1024x1024xf32>,
    return
  }
  func.func @transform_0(%arg0: i32, %arg1: i32) -> (i32, i32) {
    %mul3A = arith.constant 2 : i32
    %mul3A_0 = arith.muli %arg1, %mul3A : i32
    %add3A = arith.addi %mul3A_0, %arg0 : i32
    %c0_i32 = arith.constant 0 : i32
    %c0_i32_1 = arith.constant 0 : i32
    return %add3A, %c0_i32 : i32, i32
  }
  func.func @transform_1(%arg0: i32, %arg1: i32) -> (i32, i32) {
    %c0_i32 = arith.constant 0 : i32
    %c0_i32_0 = arith.constant 0 : i32
    %c0_i32_1 = arith.constant 0 : i32
    return %c0_i32, %c0_i32_0 : i32, i32
  }
  func.func @transform_2(%arg0: i32, %arg1: i32) -> (i32, i32) {
    %c0_i32 = arith.constant 0 : i32
    %c0_i32_0 = arith.constant 0 : i32
    %c0_i32_1 = arith.constant 0 : i32
    return %c0_i32, %c0_i32_0 : i32, i32
  }
  func.func @transform_3(%arg0: i32, %arg1: i32) -> (i32, i32) {
    %c0_i32 = arith.constant 0 : i32
    %c0_i32_0 = arith.constant 0 : i32
    %c0_i32_1 = arith.constant 0 : i32
    return %c0_i32, %c0_i32_0 : i32, i32
  }
  func.func @transform_4(%arg0: i32, %arg1: i32) -> (i32, i32) {
    %mul3A = arith.constant 2 : i32
    %mul3A_0 = arith.muli %arg1, %mul3A : i32
    %add3A = arith.addi %mul3A_0, %arg0 : i32
    %c0_i32 = arith.constant 0 : i32
    %c0_i32_1 = arith.constant 0 : i32
    return %add3A, %c0_i32 : i32, i32
  }
}

</mosaic_0001>

<sc_bundles>
// kernel: kernel.4.cloned.1.call-start
scs
__scs_entry_jumppad:
0x0: {  	(pc) =	sbr.rel $0x88, $3  }
0x1: {  	(tag) =	ssettag $0x0;
	lr =	simm.s32 $0x1  }
0x2: {  	[smem:$0x3F9C] =	sst lr;
	_ =	strace $0xD0000000  }
0x3: {  	_ = 	snop  }
0x4: {  	_ = 	snop  }
0x5: {  	_ = 	snop  }
0x6: {  	_ = 	snop  }
0x7: {  	_ = 	snop  }
__scs_overlays_trampoline_lowered:
0x8: {  	[smem:$0x3FAB] =	sst s0  }
0x9: {  	[smem:$0x3FAC] =	sst s1  }
0xa: {  	[smem:$0x3FAD] =	sst s2  }
0xb: {  	[smem:$0x3FAE] =	sst s3  }
0xc: {  	[smem:$0x3FAF] =	sst s4  }
0xd: {  	[smem:$0x3FB0] =	sst s5  }
0xe: {  	[smem:$0x3FB1] =	sst s6  }
0xf: {  	[smem:$0x3FB2] =	sst s7  }
0x10: {  	[smem:$0x3FB3] =	sst s8  }
0x11: {  	[smem:$0x3FB4] =	sst s9;
	s0 =	simm.s32 @!p0 $0x0  }
0x12: {  	s1 =	sld [smem:$0x3F9A];
	s0 =	simm.s32 @p0 $0x1  }
0x13: {  	[smem:$0x3FB5] =	sst s0;
	s0 =	simm.s32 @!p1 $0x0  }
0x14: {  	s2 =	sld [smem:$0x3F99];
	s0 =	simm.s32 @p1 $0x1  }
0x15: {  	[smem:$0x3FB6] =	sst s0;
	s0 =	simm.s32 @!p2 $0x0  }
0x16: {  	s3 =	sld [smem:$0x3FDB];
	s0 =	simm.s32 @p2 $0x1  }
0x17: {  	s4 =	simm.s32 $0x1BF5;
	[smem:$0x3FB8] =	sst s0  }
0x18: {  	s0 =	sld [smem:$0x3F9B];
	_ =	swait.ge [sflag:s4], $0x0  }
0x19: {  	s7 =	sld [smem:$0x3F9C]  }
0x1a: {  	s8 =	sadd.s32 $0xFFFFE003, lr  }
0x1b: {  	s9 =	sadd.s32 $0xFFFFFEF7, lr;
	s5 =	simm.s32 $0xFFFFFFFF;
	p2 =	slt.u32 s8, $0xFFFFF086  }
0x1c: {  	p1 =	slt.u32 s9, $0xF7A;
	s5 =	simm.s32 @!p2 $0x0  }
0x1d: {  	s5 =	simm.s32 @p1 $0x1;
	p0 =	seq.s32 s7, s2  }
0x1e: {  	s7 =	smul.u32 @!p0 $0xF7A, s2;
	p2 =	seq.s32 @!p0 s5, $0x0  }
0x1f: {  	s9 =	smul.u32 $0xF7A, s1;
	s8 =	simm.s32 @!p0 $0x1BF5;
	p2 =	por !p2, p0  }
0x20: {  	[sflag:s8] =	ssyncset.s32 @!p0 $0xFFFFF086;
	s6 =	sadd.s32 @!p0 s3, s7;
	s7 =	simm.s32 @!p0 $0x108  }
0x21: {  	s3 =	sadd.s32 s3, s9;
	s6 =	sadd.s32 @!p0 $0x88, s6;
	s7 =	simm.s32 @p2 $0x1082  }
0x22: {  	[simem:s7], [sflag:s8] =	dma.local @!p0 [hbm:s6], $0xF7A  }
0x23: {  	s9 =	sor.u32 $0xD0000000, s2;
	s6 =	simm.s32 $0x108;
	_ =	swait.ge @!p0 [sflag:s8], $0x0  }
0x24: {  	s3 =	sadd.s32 $0x88, s3;
	s6 =	simm.s32 @!p1 $0x1082;
	[sflag:s4] =	ssyncset.s32 $0xFFFFF086  }
0x25: {  	[simem:s6], [sflag:s4] =	dma.local [hbm:s3], $0xF7A  }
0x26: {  	[smem:$0x3F9C] =	sst s1;
	(tag) =	ssettag s2;
	_ =	strace s9  }
0x27: {  	s1 =	sld [smem:$0x3FAC]  }
0x28: {  	s2 =	sld [smem:$0x3FAD]  }
0x29: {  	s4 =	sld [smem:$0x3FAF]  }
0x2a: {  	p0 =	seq.s32 s5, $0x0;
	s5 =	sld [smem:$0x3FB0]  }
0x2b: {  	s6 =	sld [smem:$0x3FB1]  }
0x2c: {  	s7 =	sld [smem:$0x3FB2]  }
0x2d: {  	s3 =	simm.s32 $0x108;
	s8 =	sld [smem:$0x3FB3]  }
0x2e: {  	s3 =	simm.s32 @!p0 $0x1082;
	s9 =	sld [smem:$0x3FB4]  }
0x2f: {  	lr =	sadd.s32 s0, s3;
	s0 =	sld [smem:$0x3FAB]  }
0x30: {  	s3 =	sld [smem:$0x3FAE]  }
0x31: {  	[smem:$0x3FB7] =	sst s10  }
0x32: {  	s10 =	sld [smem:$0x3FB5];
	_ =	sdelay $0x3  }
0x33: {  	p0 =	seq.s32 s10, $0x1;
	s10 =	sld [smem:$0x3FB7];
	_ =	sdelay $0x3  }
0x34: {  	[smem:$0x3FB7] =	sst s10  }
0x35: {  	s10 =	sld [smem:$0x3FB6];
	_ =	sdelay $0x3  }
0x36: {  	p1 =	seq.s32 s10, $0x1;
	s10 =	sld [smem:$0x3FB7];
	_ =	sdelay $0x3  }
0x37: {  	[smem:$0x3FB7] =	sst s10  }
0x38: {  	s10 =	sld [smem:$0x3FB8]  }
0x39: {  	_ = 	snop;
	(pc) =	sbr.ind lr, $3  }
0x3a: {  	_ = 	snop  }
0x3b: {  	_ = 	snop  }
0x3c: {  	p2 =	seq.s32 s10, $0x1;
	s10 =	sld [smem:$0x3FB7]  }
0x3d: {  	_ =	shalt  }
0x3e: {  	_ =	shalt  }
0x3f: {  	_ =	shalt  }
0x40: {  	_ =	shalt  }
0x41: {  	_ =	shalt  }
0x42: {  	_ =	shalt  }
0x43: {  	_ =	shalt  }
0x44: {  	_ =	shalt  }
0x45: {  	_ =	shalt  }
0x46: {  	_ =	shalt  }
0x47: {  	_ =	shalt  }
0x48: {  	_ =	shalt  }
0x49: {  	_ =	shalt  }
0x4a: {  	_ =	shalt  }
0x4b: {  	_ =	shalt  }
0x4c: {  	_ =	shalt  }
0x4d: {  	_ =	shalt  }
0x4e: {  	_ =	shalt  }
0x4f: {  	_ =	shalt  }
0x50: {  	_ =	shalt  }
0x51: {  	_ =	shalt  }
0x52: {  	_ =	shalt  }
0x53: {  	_ =	shalt  }
0x54: {  	_ =	shalt  }
0x55: {  	_ =	shalt  }
0x56: {  	_ =	shalt  }
0x57: {  	_ =	shalt  }
0x58: {  	_ =	shalt  }
0x59: {  	_ =	shalt  }
0x5a: {  	_ =	shalt  }
0x5b: {  	_ =	shalt  }
0x5c: {  	_ =	shalt  }
0x5d: {  	_ =	shalt  }
0x5e: {  	_ =	shalt  }
0x5f: {  	_ =	shalt  }
0x60: {  	_ =	shalt  }
0x61: {  	_ =	shalt  }
0x62: {  	_ =	shalt  }
0x63: {  	_ =	shalt  }
0x64: {  	_ =	shalt  }
0x65: {  	_ =	shalt  }
0x66: {  	_ =	shalt  }
0x67: {  	_ =	shalt  }
0x68: {  	_ =	shalt  }
0x69: {  	_ =	shalt  }
0x6a: {  	_ =	shalt  }
0x6b: {  	_ =	shalt  }
0x6c: {  	_ =	shalt  }
0x6d: {  	_ =	shalt  }
0x6e: {  	_ =	shalt  }
0x6f: {  	_ =	shalt  }
0x70: {  	_ =	shalt  }
0x71: {  	_ =	shalt  }
0x72: {  	_ =	shalt  }
0x73: {  	_ =	shalt  }
0x74: {  	_ =	shalt  }
0x75: {  	_ =	shalt  }
0x76: {  	_ =	shalt  }
0x77: {  	_ =	shalt  }
0x78: {  	_ =	shalt  }
0x79: {  	_ =	shalt  }
0x7a: {  	_ =	shalt  }
0x7b: {  	_ =	shalt  }
0x7c: {  	_ =	shalt  }
0x7d: {  	_ =	shalt  }
0x7e: {  	_ =	shalt  }
0x7f: {  	_ =	shalt  }
0x80: {  	_ =	shalt  }
0x81: {  	_ =	shalt  }
0x82: {  	_ =	shalt  }
0x83: {  	_ =	shalt  }
0x84: {  	_ =	shalt  }
0x85: {  	_ =	shalt  }
0x86: {  	_ =	shalt  }
0x87: {  	_ =	shalt  }
.Lfunc_end0:
.L_simem_size_0:
called_computation_lowered:
.L_overlay_start_0:
0x88: {  	s2 =	sld [smem:$0x3FD9]  }
0x89: {  	s3 =	sld [smem:$0x3FFE];
	_ =	sdelay $0x1  }
0x8a: {  	s1 =	srdreg.scid  }
0x8b: {  	s0 =	sand.u32 $0x1, s1  }
0x8c: {  	s17 =	sshll.u32 s0, $0xA;
	s2 =	sadd.s32 s3, s2  }
0x8d: {  	s2 =	sadd.s32 s2, s17  }
0x8e: {  	[smem:$0x3FC3] =	sst s2  }
0x8f: {  	_ = 	snop  }
0x90: {  	s2 =	sld [smem:$0x3FC8]  }
0x91: {  	s18 =	sld [smem:$0x3FD0];
	(tm) =	ssettm $0x1  }
0x92: {  	s4 =	sld [smem:$0x3FFB];
	_ =	sdelay $0x3  }
0x93: {  	_ =	strace s4  }
0x94: {  	s4 =	sld [smem:$0x3FFC];
	_ =	sdelay $0x3  }
0x95: {  	_ =	strace s4  }
0x96: {  	s4 =	sld [smem:$0x3FFD];
	_ =	sdelay $0x3  }
0x97: {  	_ =	strace s4  }
0x98: {  	_ =	strace $0x8FFFFFFF  }
0x99: {  	s19 =	sld [smem:$0x3FDB];
	_ =	sdelay $0x1  }
0x9a: {  	s5 =	simm.s32 $_scs_section_size  }
0x9b: {  	s6 =	simm.s32 $_size__tile_overlayer_lowered;
	s7 =	simm.s32 $_tile_overlayer_lowered  }
0x9c: {  	s22 =	simm.s32 $0x1BFF;
	s21 =	sshll.u32 s7, $0x1;
	s4 =	sadd.s32 s5, s19  }
0x9d: {  	s8 =	simm.s32 $0x0;
	s20 =	sshll.u32 s6, $0x1;
	s6 =	sadd.s32 s21, s4  }
0x9e: {  	[timem:s8], [sflag:s22] =	dma.local [hbm:s6], s20  }
0x9f: {  	_ =	swait.ge [sflag:s22], s20  }
0xa0: {  	s5 =	ssub.s32 $0x0, s20;
	[sflag:s22] =	ssyncset.done $0x0  }
0xa1: {  	[sflag:s22] =	ssyncadd.s32 s5;
	_ =	sdelay $0x1  }
0xa2: {  	s23 =	simm.s32 $0x1B8B  }
0xa3: {  	_ =	swait.ge [sflag:s23], $0x1  }
0xa4: {  	[sflag:s23] =	ssyncset.done $0x0  }
0xa5: {  	s25 =	simm.s32 $0x1B8E;
	s24 =	sld [smem:$0x3FFE];
	[sflag:s23] =	ssyncadd.s32 $0xFFFFFFFF  }
0xa6: {  	s26 =	simm.s32 $execute0_lowered;
	[smem:$0x3FD2] =	sst s25  }
0xa7: {  	s6 =	sshll.u32 s26, $0x1;
	_ =	strace $0x80000046;
	[dreg:$0x1] =	wrdreg $0xFFFFFFFF  }
0xa8: {  	s28 =	simm.s32 $_size_execute0_lowered;
	s4 =	sadd.s32 s4, s6;
	[dreg:$0x0] =	wrdreg $0x0  }
0xa9: {  	s6 =	sshll.u32 s28, $0x1;
	[dreg:$0x2] =	wrdreg s4  }
0xaa: {  	[dreg:$0x3] =	wrdreg s6  }
0xab: {  	[dreg:$0x4] =	wrdreg $0xC0  }
0xac: {  	_ =	task [dreg:s8], $0x5FFFF  }
0xad: {  	[dreg:$0x1] =	wrdreg $0xFFFFFFFF  }
0xae: {  	[dreg:$0x0] =	wrdreg $0x60  }
0xaf: {  	[dreg:$0x2] =	wrdreg s18  }
0xb0: {  	[dreg:$0x3] =	wrdreg s2  }
0xb1: {  	[dreg:$0x4] =	wrdreg s24  }
0xb2: {  	[dreg:$0x5] =	wrdreg $0x9  }
0xb3: {  	_ =	task.clear_ibuf [dreg:s8], $0x6FFFF;
	_ =	strace $0x90000046  }
0xb4: {  	s29 =	simm.s32 $0x9;
	_ =	strace $0x80000048  }
0xb5: {  	_ =	swait.ge [sflag:s29], $0x1  }
0xb6: {  	[sflag:s29] =	ssyncadd.s32 $0xFFFFFFFF  }
0xb7: {  	_ =	strace $0x90000048  }
0xb8: {  	_ =	sfence  }
0xb9: {  	s30 =	sld [smem:$0x0];
	_ =	sdelay $0x2  }
0xba: {  	s31 =	sshll.u32 s1, $0xD;
	s1 =	sshrl.u32 s1, $0x2  }
0xbb: {  	s3 =	sand.u32 $0x4000, s31;
	s1 =	sadd.s32 s1, s30  }
0xbc: {  	s0 =	sor.u32 s3, s0;
	s1 =	sshll.u32 s1, $0x11  }
0xbd: {  	s0 =	sor.u32 s1, s0  }
0xbe: {  	s0 =	sadd.s32 $0x8F2B, s0  }
0xbf: {  	[sflag:s0] =	ssyncadd.remote.s32 $0x1  }
0xc0: {  	_ =	sfence.sel $0xFFFF  }
0xc1: {  	[dreg:$0x0] =	wrdreg $0xFFFFFFFF;
	(pc) =	sbr.abs _section_cstart, $3  }
0xc2: {  	[dreg:$0x1] =	wrdreg $0xFFFFFFFF  }
0xc3: {  	_ =	task.clear_ibuf [dreg:s8], $0x2FFFF;
	_ =	strace $0x9FFFFFFF  }
0xc4: {  	(tm) =	ssettm $0x7FFFFFFF  }
0xc5: {  	_ =	shalt  }
tec
execute0_lowered:
.L_overlay_start_1:
0x0: {  	(tag) =	ssettag $0x1  }
0x1: {  	s0 =	rddreg [dreg:$0x0]  }
0x2: {  	s2 =	rddreg [dreg:$0x1]  }
0x3: {  	s1 =	rddreg [dreg:$0x2];
	s3 =	simm.s32 $0x0  }
0x4: {  	s7 =	stileid.u32;
	s4 =	srdreg.scid;
	s13 =	simm.s32 $0x8C00  }
0x5: {  	s14 =	simm.s32 $0x9400;
	s15 =	simm.s32 $0x9C00;
	s16 =	simm.s32 $0xA400  }
0x6: {  	s17 =	simm.s32 $0xAC00;
	s18 =	simm.s32 $0xB400;
	s19 =	simm.s32 $0xBC00  }
0x7: {  	s20 =	simm.s32 $0xC400;
	s21 =	simm.s32 $0xCC00;
	[smem:$0x7FF] =	sst s3  }
0x8: {  	s22 =	simm.s32 $0xD400;
	_ =	strace $0x80000047;
	[dreg:$0x5] =	wrdreg s13  }
0x9: {  	s23 =	simm.s32 $0xDC00;
	s24 =	simm.s32 $0xE400;
	[dreg:$0x6] =	wrdreg s14  }
0xa: {  	s25 =	simm.s32 $0xEC00;
	s26 =	simm.s32 $0xF400;
	[dreg:$0x7] =	wrdreg s15  }
0xb: {  	s28 =	simm.s32 $0xFC00;
	s29 =	simm.s32 $0x1;
	[dreg:$0x8] =	wrdreg s16  }
0xc: {  	s30 =	simm.s32 $0x3;
	s31 =	simm.s32 $0x2;
	[dreg:$0x9] =	wrdreg s17  }
0xd: {  	s5 =	sshll.u32 s7, $0x10;
	s4 =	sand.u32 $0x1, s4;
	[dreg:$0xa] =	wrdreg s18  }
0xe: {  	s7 =	sshll.u32 s7, $0x8;
	s1 =	sadd.s32 s5, s1;
	[dreg:$0xb] =	wrdreg s19  }
0xf: {  	s9 =	ssub.s32 $0x2, s4;
	s8 =	sshll.u32 s4, $0x7;
	[dreg:$0xc] =	wrdreg s20  }
0x10: {  	s11 =	sshll.u32 s4, $0xF;
	s5 =	sadd.s32 $0x100, s2;
	[dreg:$0xd] =	wrdreg s21  }
0x11: {  	s16 =	simm.s32 $0x3400;
	s17 =	simm.s32 $0x3C00;
	[dreg:$0xe] =	wrdreg s22  }
0x12: {  	s18 =	simm.s32 $0x4400;
	s19 =	simm.s32 $0x4C00;
	[dreg:$0xf] =	wrdreg s23  }
0x13: {  	s20 =	simm.s32 $0x5400;
	s21 =	simm.s32 $0x5C00;
	[dreg:$0x10] =	wrdreg s24  }
0x14: {  	s22 =	simm.s32 $0x6400;
	s23 =	simm.s32 $0x6C00;
	[dreg:$0x11] =	wrdreg s25  }
0x15: {  	s24 =	simm.s32 $0x7400;
	[dreg:$0x12] =	wrdreg s26;
	s25 =	simm.s32 $0x7C00  }
0x16: {  	s26 =	simm.s32 $0x8400;
	s6 =	sshrl.u32 s9, $0x1;
	s10 =	sor.u32 s8, s7  }
0x17: {  	s12 =	sadd.s32 s11, s1;
	s7 =	sadd.s32 $0x300, s2;
	s1 =	simm.s32 $0x0  }
0x18: {  	v2 =	vlaneseq.u32;
	s9 =	ssub.s32 s9, s6;
	s4 =	sadd.s32 s0, s10;
	s6 =	sadd.s32 $0x200, s2  }
0x19: {  	vm0 =	vmmov $0xffff;
	v1 =	vshrl.u32 v2, $0x3;
	s0 =	sadd.s32 $0xA00, s12;
	s10 =	simm.s32 $0x400;
	s8 =	smax.u32 s9, $0x1  }
0x1a: {  	v0 =	vand.u32 $0x7, v2;
	v2 =	vor.u32 $0x8, v2;
	v1 =	vmul.u32 $0x8, v1;
	[dreg:$0x4] =	wrdreg s0;
	s9 =	simm.s32 $0x5;
	s0 =	simm.s32 $0x4  }
.LBB2_1:
0x1b: {  	[tilespmem:s3], [sflag:$0x5] =	stream.linear.gather [hbm4b:s4+s3], $0x400, $0x38;
	[tilespmem:$0x10400] =	vst v63  }
0x1c: {  	_ =	swait.ge [sflag:s9], $0x400  }
0x1d: {  	[sflag:s9] =	ssyncset.done $0x0  }
0x1e: {  	[sflag:s9] =	ssyncadd.s32 $0xFFFFFC00  }
0x1f: {  	v3 =	vld [tilespmem:$0x0];
	_ =	sdelay $0x4  }
0x20: {  	v4 =	vshll.u32 v3, $0x3  }
0x21: {  	v3 =	vand.u32 $0x7, v3;
	v4 =	vand.u32 $0xFFFFFFC0, v4  }
0x22: {  	v3 =	vor.u32 v3, v4  }
0x23: {  	v4 =	vperm.xlane v3, v0;
	_ =	sdelay $0x1  }
0x24: {  	v4 =	vadd.s32 v1, v4;
	_ =	sdelay $0x4  }
0x25: {  	[tilespmem:s10], [sflag:$0x1] =	stream.indirect_vreg.gather [hbm4b:s2+s3], $0x80, v4, vm0, $0xb8;
	[tilespmem:$0x10400] =	vst v63  }
0x26: {  	s11 =	simm.s32 $0xC00;
	v3 =	vperm.xlane v3, v2  }
0x27: {  	[tilespmem:s11], [sflag:$0x1] =	stream.indirect_vreg.gather [hbm4b:s5+s3], $0x80, v4, vm0, $0xb8;
	[tilespmem:$0x10400] =	vst v63  }
0x28: {  	s12 =	simm.s32 $0x1400;
	v3 =	vadd.s32 v1, v3  }
0x29: {  	[tilespmem:s12], [sflag:$0x1] =	stream.indirect_vreg.gather [hbm4b:s6+s3], $0x80, v4, vm0, $0xb8;
	[tilespmem:$0x10400] =	vst v63  }
0x2a: {  	s13 =	simm.s32 $0x1C00  }
0x2b: {  	[tilespmem:s13], [sflag:$0x1] =	stream.indirect_vreg.gather [hbm4b:s7+s3], $0x80, v4, vm0, $0xb8;
	[tilespmem:$0x10400] =	vst v63  }
0x2c: {  	s14 =	simm.s32 $0x2400  }
0x2d: {  	[tilespmem:s14], [sflag:$0x1] =	stream.indirect_vreg.gather [hbm4b:s2+s3], $0x80, v3, vm0, $0xb8;
	[tilespmem:$0x10400] =	vst v63  }
0x2e: {  	s15 =	simm.s32 $0x2C00  }
0x2f: {  	[tilespmem:s15], [sflag:$0x1] =	stream.indirect_vreg.gather [hbm4b:s5+s3], $0x80, v3, vm0, $0xb8;
	[tilespmem:$0x10400] =	vst v63  }
0x30: {  	_ = 	snop  }
0x31: {  	[tilespmem:s16], [sflag:$0x1] =	stream.indirect_vreg.gather [hbm4b:s6+s3], $0x80, v3, vm0, $0xb8;
	[tilespmem:$0x10400] =	vst v63  }
0x32: {  	_ = 	snop  }
0x33: {  	[tilespmem:s17], [sflag:$0x1] =	stream.indirect_vreg.gather [hbm4b:s7+s3], $0x80, v3, vm0, $0xb8;
	[tilespmem:$0x10400] =	vst v63  }
0x34: {  	v3 =	vld [tilespmem:$0x10];
	_ =	sdelay $0x4  }
0x35: {  	v63 =	vshll.u32 v3, $0x3  }
0x36: {  	v3 =	vand.u32 $0x7, v3;
	v4 =	vand.u32 $0xFFFFFFC0, v63  }
0x37: {  	v3 =	vor.u32 v3, v4  }
0x38: {  	v4 =	vperm.xlane v3, v0;
	_ =	sdelay $0x1  }
0x39: {  	v4 =	vadd.s32 v1, v4;
	_ =	sdelay $0x4  }
0x3a: {  	[tilespmem:s18], [sflag:$0x1] =	stream.indirect_vreg.gather [hbm4b:s2+s3], $0x80, v4, vm0, $0xb8;
	[tilespmem:$0x10400] =	vst v63  }
0x3b: {  	v3 =	vperm.xlane v3, v2  }
0x3c: {  	[tilespmem:s19], [sflag:$0x1] =	stream.indirect_vreg.gather [hbm4b:s5+s3], $0x80, v4, vm0, $0xb8;
	[tilespmem:$0x10400] =	vst v63  }
0x3d: {  	v3 =	vadd.s32 v1, v3  }
0x3e: {  	[tilespmem:s20], [sflag:$0x1] =	stream.indirect_vreg.gather [hbm4b:s6+s3], $0x80, v4, vm0, $0xb8;
	[tilespmem:$0x10400] =	vst v63  }
0x3f: {  	_ = 	snop  }
0x40: {  	[tilespmem:s21], [sflag:$0x1] =	stream.indirect_vreg.gather [hbm4b:s7+s3], $0x80, v4, vm0, $0xb8;
	[tilespmem:$0x10400] =	vst v63  }
0x41: {  	_ = 	snop  }
0x42: {  	[tilespmem:s22], [sflag:$0x1] =	stream.indirect_vreg.gather [hbm4b:s2+s3], $0x80, v3, vm0, $0xb8;
	[tilespmem:$0x10400] =	vst v63  }
0x43: {  	_ = 	snop  }
0x44: {  	[tilespmem:s23], [sflag:$0x1] =	stream.indirect_vreg.gather [hbm4b:s5+s3], $0x80, v3, vm0, $0xb8;
	[tilespmem:$0x10400] =	vst v63  }
0x45: {  	_ = 	snop  }
0x46: {  	[tilespmem:s24], [sflag:$0x1] =	stream.indirect_vreg.gather [hbm4b:s6+s3], $0x80, v3, vm0, $0xb8;
	[tilespmem:$0x10400] =	vst v63  }
0x47: {  	s11 =	simm.s32 $0x90;
	s12 =	simm.s32 $0x0  }
0x48: {  	[tilespmem:s25], [sflag:$0x1] =	stream.indirect_vreg.gather [hbm4b:s7+s3], $0x80, v3, vm0, $0xb8;
	[tilespmem:$0x10400] =	vst v63  }
.LBB2_2:
0x49: {  	p0 =	seq.s32 s12, $0x0  }
0x4a: {  	s13 =	simm.s32 @!p0 $0x4  }
0x4b: {  	_ =	swait.ge @!p0 [sflag:s13], $0x8000  }
0x4c: {  	[sflag:s13] =	ssyncset.done @!p0 $0x0  }
0x4d: {  	[sflag:s13] =	ssyncadd.s32 @!p0 $0xFFFF8000  }
0x4e: {  	v3 =	vld [tilespmem:s11+$0xFFFFFFF0];
	_ =	sdelay $0x4  }
0x4f: {  	v4 =	vshll.u32 v3, $0x3  }
0x50: {  	v3 =	vand.u32 $0x7, v3;
	v4 =	vand.u32 $0xFFFFFFC0, v4  }
0x51: {  	v3 =	vor.u32 v3, v4  }
0x52: {  	v4 =	vperm.xlane v3, v0;
	_ =	sdelay $0x1  }
0x53: {  	v4 =	vadd.s32 v1, v4;
	_ =	sdelay $0x4  }
0x54: {  	[tilespmem:s26], [sflag:$0x2] =	stream.indirect_vreg.gather [hbm4b:s2+s3], $0x80, v4, vm0, $0xb8;
	[tilespmem:$0x10400] =	vst v63  }
0x55: {  	s15 =	rddreg [dreg:$0x5];
	v3 =	vperm.xlane v3, v2  }
0x56: {  	[tilespmem:s15], [sflag:$0x2] =	stream.indirect_vreg.gather [hbm4b:s5+s3], $0x80, v4, vm0, $0xb8;
	[tilespmem:$0x10400] =	vst v63  }
0x57: {  	s14 =	rddreg [dreg:$0x6];
	v3 =	vadd.s32 v1, v3  }
0x58: {  	[tilespmem:s14], [sflag:$0x2] =	stream.indirect_vreg.gather [hbm4b:s6+s3], $0x80, v4, vm0, $0xb8;
	[tilespmem:$0x10400] =	vst v63  }
0x59: {  	s15 =	rddreg [dreg:$0x7]  }
0x5a: {  	[tilespmem:s15], [sflag:$0x2] =	stream.indirect_vreg.gather [hbm4b:s7+s3], $0x80, v4, vm0, $0xb8;
	[tilespmem:$0x10400] =	vst v63  }
0x5b: {  	s14 =	rddreg [dreg:$0x8]  }
0x5c: {  	[tilespmem:s14], [sflag:$0x2] =	stream.indirect_vreg.gather [hbm4b:s2+s3], $0x80, v3, vm0, $0xb8;
	[tilespmem:$0x10400] =	vst v63  }
0x5d: {  	s15 =	rddreg [dreg:$0x9]  }
0x5e: {  	[tilespmem:s15], [sflag:$0x2] =	stream.indirect_vreg.gather [hbm4b:s5+s3], $0x80, v3, vm0, $0xb8;
	[tilespmem:$0x10400] =	vst v63  }
0x5f: {  	s14 =	rddreg [dreg:$0xa]  }
0x60: {  	[tilespmem:s14], [sflag:$0x2] =	stream.indirect_vreg.gather [hbm4b:s6+s3], $0x80, v3, vm0, $0xb8;
	[tilespmem:$0x10400] =	vst v63  }
0x61: {  	s15 =	rddreg [dreg:$0xb]  }
0x62: {  	[tilespmem:s15], [sflag:$0x2] =	stream.indirect_vreg.gather [hbm4b:s7+s3], $0x80, v3, vm0, $0xb8;
	[tilespmem:$0x10400] =	vst v63  }
0x63: {  	v3 =	vld [tilespmem:s11+$0x0];
	_ =	sdelay $0x4  }
0x64: {  	v63 =	vshll.u32 v3, $0x3  }
0x65: {  	v3 =	vand.u32 $0x7, v3;
	v4 =	vand.u32 $0xFFFFFFC0, v63  }
0x66: {  	v3 =	vor.u32 v3, v4  }
0x67: {  	v4 =	vperm.xlane v3, v0;
	_ =	sdelay $0x1  }
0x68: {  	v4 =	vadd.s32 v1, v4;
	_ =	sdelay $0x3  }
0x69: {  	s15 =	rddreg [dreg:$0xc]  }
0x6a: {  	[tilespmem:s15], [sflag:$0x2] =	stream.indirect_vreg.gather [hbm4b:s2+s3], $0x80, v4, vm0, $0xb8;
	[tilespmem:$0x10400] =	vst v63  }
0x6b: {  	s14 =	rddreg [dreg:$0xd];
	v3 =	vperm.xlane v3, v2  }
0x6c: {  	[tilespmem:s14], [sflag:$0x2] =	stream.indirect_vreg.gather [hbm4b:s5+s3], $0x80, v4, vm0, $0xb8;
	[tilespmem:$0x10400] =	vst v63  }
0x6d: {  	v3 =	vadd.s32 v1, v3;
	s15 =	rddreg [dreg:$0xe]  }
0x6e: {  	[tilespmem:s15], [sflag:$0x2] =	stream.indirect_vreg.gather [hbm4b:s6+s3], $0x80, v4, vm0, $0xb8;
	[tilespmem:$0x10400] =	vst v63  }
0x6f: {  	s14 =	rddreg [dreg:$0xf]  }
0x70: {  	[tilespmem:s14], [sflag:$0x2] =	stream.indirect_vreg.gather [hbm4b:s7+s3], $0x80, v4, vm0, $0xb8;
	[tilespmem:$0x10400] =	vst v63  }
0x71: {  	s15 =	rddreg [dreg:$0x10]  }
0x72: {  	[tilespmem:s15], [sflag:$0x2] =	stream.indirect_vreg.gather [hbm4b:s2+s3], $0x80, v3, vm0, $0xb8;
	[tilespmem:$0x10400] =	vst v63  }
0x73: {  	s14 =	rddreg [dreg:$0x11]  }
0x74: {  	[tilespmem:s14], [sflag:$0x2] =	stream.indirect_vreg.gather [hbm4b:s5+s3], $0x80, v3, vm0, $0xb8;
	[tilespmem:$0x10400] =	vst v63  }
0x75: {  	s15 =	rddreg [dreg:$0x12]  }
0x76: {  	[tilespmem:s15], [sflag:$0x2] =	stream.indirect_vreg.gather [hbm4b:s6+s3], $0x80, v3, vm0, $0xb8;
	[tilespmem:$0x10400] =	vst v63  }
0x77: {  	_ = 	snop  }
0x78: {  	[tilespmem:s28], [sflag:$0x2] =	stream.indirect_vreg.gather [hbm4b:s7+s3], $0x80, v3, vm0, $0xb8;
	[tilespmem:$0x10400] =	vst v63  }
0x79: {  	_ =	swait.ge [sflag:s29], $0x8000  }
0x7a: {  	s15 =	rddreg [dreg:$0x4];
	[sflag:s29] =	ssyncset.done $0x0  }
0x7b: {  	[sflag:s29] =	ssyncadd.s32 $0xFFFF8000;
	s13 =	sadd.s32 s12, s15  }
0x7c: {  	[hbm4b:s13+s3] =	stream.linear.scatter [tilespmem:s10], [sflag:$0x3], $0x8000, $0x38;
	[tilespmem:$0x10400] =	vst v63  }
0x7d: {  	_ =	swait.ge [sflag:s30], $0x8000  }
0x7e: {  	[sflag:s30] =	ssyncset.done $0x0  }
0x7f: {  	p0 =	seq.s32 s12, $0x6000;
	[sflag:s30] =	ssyncadd.s32 $0xFFFF8000  }
0x80: {  	v3 =	vld @!p0 [tilespmem:s11+$0x70];
	_ =	sdelay $0x4  }
0x81: {  	v4 =	vshll.u32 @!p0 v3, $0x3  }
0x82: {  	v5 =	vlaneseq.u32 @!p0;
	v3 =	vand.u32 @!p0 $0x7, v3;
	v4 =	vand.u32 @!p0 $0xFFFFFFC0, v4  }
0x83: {  	v6 =	vshrl.u32 @!p0 v5, $0x3;
	v3 =	vor.u32 @!p0 v3, v4;
	v4 =	vand.u32 @!p0 $0x7, v5  }
0x84: {  	v6 =	vmul.u32 @!p0 $0x8, v6;
	v7 =	vperm.xlane @!p0 v3, v4;
	_ =	sdelay $0x1  }
0x85: {  	v7 =	vadd.s32 @!p0 v6, v7;
	_ =	sdelay $0x3  }
0x86: {  	vm1 =	vmmov @!p0 $0xffff;
	s14 =	simm.s32 @!p0 $0x0;
	s15 =	simm.s32 @!p0 $0x400  }
0x87: {  	v5 =	vor.u32 @!p0 $0x8, v5;
	[tilespmem:s15], [sflag:$0x1] =	stream.indirect_vreg.gather @!p0 [hbm4b:s2+s14], $0x80, v7, vm1, $0xb8;
	[tilespmem:$0x10400] =	vst v63  }
0x88: {  	v3 =	vperm.xlane @!p0 v3, v5;
	s15 =	simm.s32 @!p0 $0xC00  }
0x89: {  	[tilespmem:s15], [sflag:$0x1] =	stream.indirect_vreg.gather @!p0 [hbm4b:s5+s14], $0x80, v7, vm1, $0xb8;
	[tilespmem:$0x10400] =	vst v63  }
0x8a: {  	v3 =	vadd.s32 @!p0 v6, v3;
	s15 =	simm.s32 @!p0 $0x1400  }
0x8b: {  	[tilespmem:s15], [sflag:$0x1] =	stream.indirect_vreg.gather @!p0 [hbm4b:s6+s14], $0x80, v7, vm1, $0xb8;
	[tilespmem:$0x10400] =	vst v63  }
0x8c: {  	s15 =	simm.s32 @!p0 $0x1C00  }
0x8d: {  	[tilespmem:s15], [sflag:$0x1] =	stream.indirect_vreg.gather @!p0 [hbm4b:s7+s14], $0x80, v7, vm1, $0xb8;
	[tilespmem:$0x10400] =	vst v63  }
0x8e: {  	s15 =	simm.s32 @!p0 $0x2400  }
0x8f: {  	[tilespmem:s15], [sflag:$0x1] =	stream.indirect_vreg.gather @!p0 [hbm4b:s2+s14], $0x80, v3, vm1, $0xb8;
	[tilespmem:$0x10400] =	vst v63  }
0x90: {  	s15 =	simm.s32 @!p0 $0x2C00  }
0x91: {  	[tilespmem:s15], [sflag:$0x1] =	stream.indirect_vreg.gather @!p0 [hbm4b:s5+s14], $0x80, v3, vm1, $0xb8;
	[tilespmem:$0x10400] =	vst v63  }
0x92: {  	s15 =	simm.s32 @!p0 $0x3400  }
0x93: {  	[tilespmem:s15], [sflag:$0x1] =	stream.indirect_vreg.gather @!p0 [hbm4b:s6+s14], $0x80, v3, vm1, $0xb8;
	[tilespmem:$0x10400] =	vst v63  }
0x94: {  	s15 =	simm.s32 @!p0 $0x3C00  }
0x95: {  	[tilespmem:s15], [sflag:$0x1] =	stream.indirect_vreg.gather @!p0 [hbm4b:s7+s14], $0x80, v3, vm1, $0xb8;
	[tilespmem:$0x10400] =	vst v63  }
0x96: {  	v3 =	vld @!p0 [tilespmem:s11+$0x80];
	_ =	sdelay $0x4  }
0x97: {  	v7 =	vshll.u32 @!p0 v3, $0x3  }
0x98: {  	v3 =	vand.u32 @!p0 $0x7, v3;
	v7 =	vand.u32 @!p0 $0xFFFFFFC0, v7  }
0x99: {  	v3 =	vor.u32 @!p0 v3, v7  }
0x9a: {  	v4 =	vperm.xlane @!p0 v3, v4;
	_ =	sdelay $0x1  }
0x9b: {  	v4 =	vadd.s32 @!p0 v6, v4;
	_ =	sdelay $0x3  }
0x9c: {  	s15 =	simm.s32 @!p0 $0x4400  }
0x9d: {  	[tilespmem:s15], [sflag:$0x1] =	stream.indirect_vreg.gather @!p0 [hbm4b:s2+s14], $0x80, v4, vm1, $0xb8;
	[tilespmem:$0x10400] =	vst v63  }
0x9e: {  	v3 =	vperm.xlane @!p0 v3, v5;
	s15 =	simm.s32 @!p0 $0x4C00  }
0x9f: {  	[tilespmem:s15], [sflag:$0x1] =	stream.indirect_vreg.gather @!p0 [hbm4b:s5+s14], $0x80, v4, vm1, $0xb8;
	[tilespmem:$0x10400] =	vst v63  }
0xa0: {  	v3 =	vadd.s32 @!p0 v6, v3;
	s15 =	simm.s32 @!p0 $0x5400  }
0xa1: {  	[tilespmem:s15], [sflag:$0x1] =	stream.indirect_vreg.gather @!p0 [hbm4b:s6+s14], $0x80, v4, vm1, $0xb8;
	[tilespmem:$0x10400] =	vst v63  }
0xa2: {  	s15 =	simm.s32 @!p0 $0x5C00  }
0xa3: {  	[tilespmem:s15], [sflag:$0x1] =	stream.indirect_vreg.gather @!p0 [hbm4b:s7+s14], $0x80, v4, vm1, $0xb8;
	[tilespmem:$0x10400] =	vst v63  }
0xa4: {  	s15 =	simm.s32 @!p0 $0x6400  }
0xa5: {  	[tilespmem:s15], [sflag:$0x1] =	stream.indirect_vreg.gather @!p0 [hbm4b:s2+s14], $0x80, v3, vm1, $0xb8;
	[tilespmem:$0x10400] =	vst v63  }
0xa6: {  	s15 =	simm.s32 @!p0 $0x6C00  }
0xa7: {  	[tilespmem:s15], [sflag:$0x1] =	stream.indirect_vreg.gather @!p0 [hbm4b:s5+s14], $0x80, v3, vm1, $0xb8;
	[tilespmem:$0x10400] =	vst v63  }
0xa8: {  	s15 =	simm.s32 @!p0 $0x7400  }
0xa9: {  	[tilespmem:s15], [sflag:$0x1] =	stream.indirect_vreg.gather @!p0 [hbm4b:s6+s14], $0x80, v3, vm1, $0xb8;
	[tilespmem:$0x10400] =	vst v63  }
0xaa: {  	s12 =	sadd.s32 $0x2000, s12;
	s15 =	simm.s32 @!p0 $0x7C00  }
0xab: {  	[tilespmem:s15], [sflag:$0x1] =	stream.indirect_vreg.gather @!p0 [hbm4b:s7+s14], $0x80, v3, vm1, $0xb8;
	[tilespmem:$0x10400] =	vst v63  }
0xac: {  	p0 =	sne.s32 s12, $0x8000  }
.Ltmp0:
0xad: {  	_ = 	snop;
	(pc) =	sbr.rel @p0 .LBB2_2-.Ltmp0, $4  }
0xae: {  	_ =	swait.ge [sflag:s31], $0x8000  }
0xaf: {  	[sflag:s31] =	ssyncset.done $0x0  }
0xb0: {  	s13 =	sadd.s32 $0x1000, s13;
	s11 =	sadd.s32 $0x100, s11;
	[sflag:s31] =	ssyncadd.s32 $0xFFFF8000  }
0xb1: {  	[hbm4b:s13+s3] =	stream.linear.scatter [tilespmem:s26], [sflag:$0x4], $0x8000, $0x38;
	[tilespmem:$0x10400] =	vst v63  }
0xb2: {  	s1 =	sadd.s32 $0x1, s1  }
0xb3: {  	p0 =	sne.s32 s1, s8  }
.Ltmp1:
0xb4: {  	_ = 	snop;
	(pc) =	sbr.rel @p0 .LBB2_1-.Ltmp1, $4  }
0xb5: {  	_ = 	snop  }
0xb6: {  	_ =	swait.ge [sflag:s0], $0x8000  }
0xb7: {  	[sflag:s0] =	ssyncset.done $0x0  }
0xb8: {  	[sflag:s0] =	ssyncadd.s32 $0xFFFF8000  }
0xb9: {  	_ =	sfence.sel $0x180000  }
0xba: {  	[bflag:$0x0] =	sbarrier.arrive $0xFFFF  }
0xbb: {  	_ =	strace $0x90000047  }
0xbc: {  	s0 =	stileid.u32;
	[bflag:$0x2] =	sbarrier.arrive $0xFFFF  }
0xbd: {  	p0 =	sne.s32 s0, $0x0;
	s0 =	rddreg [dreg:$0x3]  }
0xbe: {  	s0 =	sadd.s32 @!p0 $0x100000, s0  }
0xbf: {  	[sflag:s0] =	ssyncadd.tile.s32 @!p0 $0x1;
	_ =	shalt  }
.Lfunc_end2:
_tile_overlayer_lowered:
.L_overlay_start_2:
0xc0: {  	(tag) =	ssettag $0x2  }
0xc1: {  	s0 =	rddreg [dreg:$0x0];
	s2 =	stileid.u32  }
0xc2: {  	s1 =	rddreg [dreg:$0x1];
	p0 =	sne.s32 s2, $0x0  }
0xc3: {  	s3 =	rddreg [dreg:$0x2];
	[bflag:$0x3] =	sbarrier.arrive $0xFFFF;
	s2 =	simm.s32 @!p0 $0x1C05  }
0xc4: {  	[timem:s3], [sflag:s2] =	dma.local @!p0 [hbm:s0], s1  }
0xc5: {  	s0 =	simm.s32 @!p0 $0x5  }
0xc6: {  	_ =	swait.ge @!p0 [sflag:s0], s1  }
0xc7: {  	s1 =	ssub.s32 @!p0 $0x0, s1;
	[sflag:s0] =	ssyncset.done @!p0 $0x0  }
0xc8: {  	[sflag:s0] =	ssyncadd.s32 @!p0 s1  }
0xc9: {  	[bflag:$0x3] =	sbarrier.arrive $0xFFFF  }
0xca: {  	_ =	shalt  }

</sc_bundles>
